<compile_context>
chip_gen: v7x
topology: tpu7x:2x2x1
jax: 0.10.2.dev20260603
libtpu: 0.0.44.dev20260713+nightly
codegen_flags: <defaults>
</compile_context>

<pallas_src>
import functools

import jax
import jax.numpy as jnp
from jax import lax
from jax.experimental import pallas as pl
from jax.experimental.pallas import tpu as pltpu
from jax.experimental.pallas import tpu_sc as plsc

_N = 1000000
_R = 1000
_K = 512
_NT = 32
_CHUNK = 31248
_LAST = 31312
_NC = _CHUNK // 16
_NC_LAST = _LAST // 16
_CAP = 1024


def _ukeys(x):
    b = lax.bitcast_convert_type(x, jnp.int32)
    ks = jnp.where(b < 0, jnp.bitwise_xor(b, jnp.int32(0x7FFFFFFF)), b)
    return lax.bitcast_convert_type(ks, jnp.uint32) ^ jnp.uint32(0x80000000)


def _usearch(ku, k):

    def step(i, t):
        cand = t | (jnp.uint32(1) << (jnp.uint32(31) - i.astype(jnp.uint32)))
        cnt = jnp.sum((ku >= cand).astype(jnp.int32))
        return jnp.where(cnt >= k, cand, t)

    return lax.fori_loop(0, 32, step, jnp.uint32(0))


def _u_to_f32(t):
    ts = lax.bitcast_convert_type(t ^ jnp.uint32(0x80000000), jnp.int32)
    db = jnp.where(ts < 0, jnp.bitwise_xor(ts, jnp.int32(0x7FFFFFFF)), ts)
    return lax.bitcast_convert_type(db, jnp.float32)


def _stage1(x_ref, tks_ref, mx_ref):
    x = x_ref[...]
    bm = jnp.max(x, axis=1)
    mx = jnp.max(bm)
    tu = _usearch(_ukeys(bm), _K)
    tks_ref[...] = jnp.full((16,), _u_to_f32(tu), jnp.float32)
    mx_ref[...] = jnp.full((16,), mx, jnp.float32)


_sc_mesh = plsc.VectorSubcoreMesh(core_axis_name="c", subcore_axis_name="s")


_LCAP = _CAP // 16


@functools.partial(
    pl.kernel,
    mesh=_sc_mesh,
    compiler_params=pltpu.CompilerParams(needs_layout_passes=False),
    out_type=(
        jax.ShapeDtypeStruct((_NT, _CAP), jnp.float32),
        jax.ShapeDtypeStruct((_NT, 16), jnp.int32),
    ),
    scratch_types=[
        pltpu.VMEM((_LAST,), jnp.float32),
        pltpu.VMEM((_CAP,), jnp.float32),
        pltpu.VMEM((16,), jnp.float32),
        pltpu.VMEM((16,), jnp.int32),
    ],
)
def _sc_compact(xf, tks_hbm, c_hbm, cnt_hbm, data_v, cv_v, tk_v, cnt_v):
    cid = lax.axis_index("c")
    sid = lax.axis_index("s")
    w = sid * 2 + cid
    base = w * _CHUNK
    pltpu.sync_copy(xf.at[pl.ds(base, _LAST)], data_v)
    pltpu.sync_copy(tks_hbm, tk_v)
    tkv = tk_v[...]

    neg = jnp.full((16,), -jnp.inf, jnp.float32)

    def fill(i, carry):
        cv_v[pl.ds(i * 16, 16)] = neg
        return carry

    lax.fori_loop(0, _CAP // 16, fill, 0)

    lane_base = jnp.arange(16, dtype=jnp.int32) * _LCAP
    nc = jnp.where(w == _NT - 1, _NC_LAST, _NC)

    def step(j, cnt):
        v = data_v[pl.ds(j * 16, 16)]
        m = v >= tkv
        mst = m & (cnt < _LCAP)
        idx = lane_base + cnt
        plsc.store_scatter(cv_v, [idx], v, mask=mst)
        return cnt + m.astype(jnp.int32)

    cnt = lax.fori_loop(0, nc, step, jnp.zeros((16,), jnp.int32))
    cnt_v[...] = cnt
    pltpu.sync_copy(cnt_v, cnt_hbm.at[w])
    pltpu.sync_copy(cv_v, c_hbm.at[w])


def _stage2(x_ref, c_ref, cnt_ref, mx_ref, o_ref):
    x = x_ref[...]
    mx = jnp.max(mx_ref[...])
    overflow = jnp.max(cnt_ref[...]) > _LCAP

    def full_search(_):
        return _usearch(_ukeys(x), _K)

    def small_search(_):
        return _usearch(_ukeys(c_ref[...]), _K)

    tu = lax.cond(overflow, full_search, small_search, None)
    delta = _u_to_f32(tu)

    w = jnp.maximum(x - mx + delta, 0.0)
    s = jnp.sum(w) + jnp.float32(1e-7)
    o_ref[...] = w * (1.0 / s)


@jax.jit
def kernel(attn_s):
    x2 = attn_s.reshape(_R, _R)
    xf = attn_s.reshape(_N)
    tks, mxv = pl.pallas_call(
        _stage1,
        out_shape=(
            jax.ShapeDtypeStruct((16,), jnp.float32),
            jax.ShapeDtypeStruct((16,), jnp.float32),
        ),
    )(x2)
    cvals, counts = _sc_compact(xf, tks)
    out = pl.pallas_call(
        _stage2,
        out_shape=jax.ShapeDtypeStruct((_R, _R), jnp.float32),
    )(x2, cvals, counts, mxv)
    return out.reshape(1, _N)

# --- scband reference (transcript-rebuilt; emitter-appended) ---
"""Pipeline reference for scband-sparse-attention-epilson-90907277787366 (READ-ONLY COPY).

The authoritative reference and input builder live on the scoring server;
editing this copy changes nothing except your own understanding.
"""

import jax, jax.numpy as jnp
import numpy as np

TOP_K = 512
EPILSON = 0.0001


def setup_inputs(seed: int = 0) -> dict:
    key = jax.random.key(seed)
    attn_s = jax.random.normal(key, (1, 1000000), dtype=jnp.float32)
    return {"attn_s": attn_s}


def reference(attn_s):
    time_step = attn_s.shape[1]
    # max over dim=1 (legacy torch keepdim semantics -> keepdims=True)
    attn_s_max = jnp.max(attn_s, axis=1, keepdims=True)
    if time_step <= TOP_K:
        delta = jnp.min(attn_s, axis=1, keepdims=True)
    else:
        top_vals = jax.lax.top_k(attn_s, TOP_K)[0]  # [B, top_k], sorted descending
        delta = top_vals[:, -1:]  # k-th largest value per row, [B, 1]
    attn_w = attn_s - attn_s_max + delta
    attn_w = jnp.maximum(attn_w, 0.0)
    eps = 1e-07
    attn_w_sum = jnp.sum(attn_w, axis=1, keepdims=True) + eps
    attn_w_normalize = attn_w / attn_w_sum
    return attn_w_normalize

if __name__ == "__main__":
    import jax
    _d = setup_inputs()
    print(jax.jit(kernel)(*tuple(_d.values())))

</pallas_src>

<mosaic_0001>
#map = affine_map<(d0, d1) -> (0)>
#map1 = affine_map<(d0, d1) -> (0, 0)>
module attributes {stable_mosaic.version = 14 : i64} {
  func.func @_sc_compact(%arg0: i32, %arg1: i32, %arg2: memref<1000000xf32, #tpu.memory_space<hbm>>, %arg3: memref<16xf32, #tpu.memory_space<hbm>>, %arg4: memref<32x1024xf32, #tpu.memory_space<hbm>>, %arg5: memref<32x16xi32, #tpu.memory_space<hbm>>, %arg6: memref<31312xf32, #tpu.memory_space<vmem>>, %arg7: memref<1024xf32, #tpu.memory_space<vmem>>, %arg8: memref<16xf32, #tpu.memory_space<vmem>>, %arg9: memref<16xi32, #tpu.memory_space<vmem>>) attributes {dimension_semantics = [#tpu.dimension_semantics<core_parallel>, #tpu.dimension_semantics<subcore_parallel>], iteration_bounds = array<i64: 2, 16>, scalar_prefetch = 0 : i64, scratch_operands = 4 : i64, tpu.core_type = #tpu.core_type<sc_vector_subcore>, window_params = [{transform_indices = #map}, {transform_indices = #map}, {transform_indices = #map1}, {transform_indices = #map1}]} {
    %mul3A = arith.constant 2 : i32
    %mul3A_0 = arith.muli %arg1, %mul3A : i32
    %add3A = arith.addi %mul3A_0, %arg0 : i32
    %mul3A_1 = arith.constant 31248 : i32
    %mul3A_2 = arith.muli %add3A, %mul3A_1 : i32
    "tpu.region"() ({
      %run_scoped3A = tpu.sem_alloc : memref<!tpu.dma_semaphore, #tpu.memory_space<semaphore_mem>>
      %dma_start3A = tpu.memref_slice %arg2[%mul3A_2] : memref<1000000xf32, #tpu.memory_space<hbm>> -> memref<31312xf32, #tpu.memory_space<hbm>>
      %dma_start3A_28 = tpu.memref_slice %arg2[%mul3A_2] : memref<1000000xf32, #tpu.memory_space<hbm>> -> memref<31312xf32, #tpu.memory_space<hbm>>
      tpu.enqueue_dma source(%dma_start3A_28 : memref<31312xf32, #tpu.memory_space<hbm>>) target(%arg6 : memref<31312xf32, #tpu.memory_space<vmem>>) target_semaphore(%run_scoped3A : memref<!tpu.dma_semaphore, #tpu.memory_space<semaphore_mem>>)
      %dma_wait3A = tpu.memref_slice %arg2[%mul3A_2] : memref<1000000xf32, #tpu.memory_space<hbm>> -> memref<31312xf32, #tpu.memory_space<hbm>>
      %dma_wait3A_29 = tpu.memref_slice %arg2[%mul3A_2] : memref<1000000xf32, #tpu.memory_space<hbm>> -> memref<31312xf32, #tpu.memory_space<hbm>>
      tpu.wait_dma2 semaphore(%run_scoped3A : memref<!tpu.dma_semaphore, #tpu.memory_space<semaphore_mem>>) src(%dma_wait3A_29 : memref<31312xf32, #tpu.memory_space<hbm>>) dst(%arg6 : memref<31312xf32, #tpu.memory_space<vmem>>)
      tpu.yield
    }) : () -> ()
    "tpu.region"() ({
      %run_scoped3A = tpu.sem_alloc : memref<!tpu.dma_semaphore, #tpu.memory_space<semaphore_mem>>
      tpu.enqueue_dma source(%arg3 : memref<16xf32, #tpu.memory_space<hbm>>) target(%arg8 : memref<16xf32, #tpu.memory_space<vmem>>) target_semaphore(%run_scoped3A : memref<!tpu.dma_semaphore, #tpu.memory_space<semaphore_mem>>)
      tpu.wait_dma2 semaphore(%run_scoped3A : memref<!tpu.dma_semaphore, #tpu.memory_space<semaphore_mem>>) src(%arg3 : memref<16xf32, #tpu.memory_space<hbm>>) dst(%arg8 : memref<16xf32, #tpu.memory_space<vmem>>)
      tpu.yield
    }) : () -> ()
    %get3A = arith.constant 0 : index
    %get3A_3 = tpu.vector_load %arg8[%get3A] {strides = array<i32>} : memref<16xf32, #tpu.memory_space<vmem>>, vector<16xf32>,
    %broadcast_in_dim3A = arith.constant 0xFF800000 : f32
    %broadcast_in_dim3A_4 = vector.broadcast %broadcast_in_dim3A : f32 to vector<16xf32>
    %scan3A = arith.constant 0 : i32
    %scan3A_5 = arith.constant 0 : i32
    %scan3A_6 = arith.constant 64 : i32
    %scan3A_7 = arith.addi %scan3A_5, %scan3A_6 : i32
    %scan3A_8 = arith.constant 1 : i32
    scf.for %scan3A_28 = %scan3A_5 to %scan3A_7 step %scan3A_8  : i32 {
      %mul3A_29 = arith.constant 16 : i32
      %mul3A_30 = arith.muli %scan3A_28, %mul3A_29 : i32
      %swap3A_31 = arith.index_cast %mul3A_30 : i32 to index
      %swap3A_32 = tpu.vector_load %arg7[%swap3A_31] {strides = array<i32>} : memref<1024xf32, #tpu.memory_space<vmem>>, vector<16xf32>,
      tpu.vector_store %arg7[%swap3A_31], %broadcast_in_dim3A_4 {strides = array<i32>} : memref<1024xf32, #tpu.memory_space<vmem>>, vector<16xf32>,
    }
    %scan3A_9 = arith.constant 64 : i32
    %iota3A = tpu.iota {dimensions = array<i32: 0>} : vector<16xi32>
    %mul3A_10 = arith.constant 64 : i32
    %mul3A_11 = vector.broadcast %mul3A_10 : i32 to vector<16xi32>
    %mul3A_12 = arith.muli %iota3A, %mul3A_11 : vector<16xi32>
    %eq3A = arith.constant 31 : i32
    %eq3A_13 = arith.cmpi eq, %add3A, %eq3A : i32
    %jit3A = arith.constant 1957 : i32
    %jit3A_14 = arith.constant 1953 : i32
    %select_n3A = arith.select %eq3A_13, %jit3A, %jit3A_14 : i32
    %broadcast_in_dim3A_15 = arith.constant 0 : i32
    %broadcast_in_dim3A_16 = vector.broadcast %broadcast_in_dim3A_15 : i32 to vector<16xi32>
    %while3A = arith.constant 0 : i32
    %while3A_17 = arith.subi %select_n3A, %while3A : i32
    %while3A_18 = arith.addi %while3A, %while3A_17 : i32
    %while3A_19 = arith.constant 1 : i32
    %while3A_20 = arith.divsi %while3A_17, %while3A_19 : i32
    %while3A_21 = arith.muli %while3A_20, %while3A_19 : i32
    %while3A_22 = arith.addi %while3A, %while3A_21 : i32
    %while3A_23 = arith.constant 1 : i32
    %while3A_24 = scf.for %while3A_28 = %while3A to %while3A_22 step %while3A_23 iter_args(%while3A_29 = %broadcast_in_dim3A_16) -> (vector<16xi32>)  : i32 {
      %mul3A_30 = arith.constant 16 : i32
      %mul3A_31 = arith.muli %while3A_28, %mul3A_30 : i32
      %get3A_32 = arith.index_cast %mul3A_31 : i32 to index
      %get3A_33 = tpu.vector_load %arg6[%get3A_32] {strides = array<i32>} : memref<31312xf32, #tpu.memory_space<vmem>>, vector<16xf32>,
      %ge3A = arith.cmpf oge, %get3A_33, %get3A_3 : vector<16xf32>
      %lt3A = arith.constant 64 : i32
      %lt3A_34 = vector.broadcast %lt3A : i32 to vector<16xi32>
      %lt3A_35 = arith.cmpi slt, %while3A_29, %lt3A_34 : vector<16xi32>
      %and3A = arith.andi %ge3A, %lt3A_35 : vector<16xi1>
      %add3A_36 = arith.addi %mul3A_12, %while3A_29 : vector<16xi32>
      tpu.vector_store_idx %arg7[%add3A_36], %get3A_33 masked %and3A : memref<1024xf32, #tpu.memory_space<vmem>>[vector<16xi32>], vector<16xf32>, vector<16xi1>
      %convert_element_type3A = arith.extui %ge3A : vector<16xi1> to vector<16xi32>
      %add3A_37 = arith.addi %while3A_29, %convert_element_type3A : vector<16xi32>
      scf.yield %add3A_37 : vector<16xi32>
    }
    %while3A_25 = arith.constant 1 : i32
    %while3A_26 = scf.for %while3A_28 = %while3A_22 to %while3A_18 step %while3A_25 iter_args(%while3A_29 = %while3A_24) -> (vector<16xi32>)  : i32 {
      %mul3A_30 = arith.constant 16 : i32
      %mul3A_31 = arith.muli %while3A_28, %mul3A_30 : i32
      %get3A_32 = arith.index_cast %mul3A_31 : i32 to index
      %get3A_33 = tpu.vector_load %arg6[%get3A_32] {strides = array<i32>} : memref<31312xf32, #tpu.memory_space<vmem>>, vector<16xf32>,
      %ge3A = arith.cmpf oge, %get3A_33, %get3A_3 : vector<16xf32>
      %lt3A = arith.constant 64 : i32
      %lt3A_34 = vector.broadcast %lt3A : i32 to vector<16xi32>
      %lt3A_35 = arith.cmpi slt, %while3A_29, %lt3A_34 : vector<16xi32>
      %and3A = arith.andi %ge3A, %lt3A_35 : vector<16xi1>
      %add3A_36 = arith.addi %mul3A_12, %while3A_29 : vector<16xi32>
      tpu.vector_store_idx %arg7[%add3A_36], %get3A_33 masked %and3A : memref<1024xf32, #tpu.memory_space<vmem>>[vector<16xi32>], vector<16xf32>, vector<16xi1>
      %convert_element_type3A = arith.extui %ge3A : vector<16xi1> to vector<16xi32>
      %add3A_37 = arith.addi %while3A_29, %convert_element_type3A : vector<16xi32>
      scf.yield %add3A_37 : vector<16xi32>
    }
    %swap3A = arith.constant 0 : index
    %swap3A_27 = tpu.vector_load %arg9[%swap3A] {strides = array<i32>} : memref<16xi32, #tpu.memory_space<vmem>>, vector<16xi32>,
    tpu.vector_store %arg9[%swap3A], %while3A_26 {strides = array<i32>} : memref<16xi32, #tpu.memory_space<vmem>>, vector<16xi32>,
    "tpu.region"() ({
      %run_scoped3A = tpu.sem_alloc : memref<!tpu.dma_semaphore, #tpu.memory_space<semaphore_mem>>
      %dma_start3A = arith.constant 0 : i32
      %dma_start3A_28 = tpu.memref_slice %arg5[%add3A, %dma_start3A] : memref<32x16xi32, #tpu.memory_space<hbm>> -> memref<1x16xi32, #tpu.memory_space<hbm>>
      %dma_start3A_29 = tpu.memref_squeeze %dma_start3A_28 : memref<1x16xi32, #tpu.memory_space<hbm>> -> memref<16xi32, #tpu.memory_space<hbm>>
      %dma_start3A_30 = arith.constant 0 : i32
      %dma_start3A_31 = tpu.memref_slice %arg5[%add3A, %dma_start3A_30] : memref<32x16xi32, #tpu.memory_space<hbm>> -> memref<1x16xi32, #tpu.memory_space<hbm>>
      %dma_start3A_32 = tpu.memref_squeeze %dma_start3A_31 : memref<1x16xi32, #tpu.memory_space<hbm>> -> memref<16xi32, #tpu.memory_space<hbm>>
      tpu.enqueue_dma source(%arg9 : memref<16xi32, #tpu.memory_space<vmem>>) target(%dma_start3A_32 : memref<16xi32, #tpu.memory_space<hbm>>) target_semaphore(%run_scoped3A : memref<!tpu.dma_semaphore, #tpu.memory_space<semaphore_mem>>)
      %dma_wait3A = arith.constant 0 : i32
      %dma_wait3A_33 = tpu.memref_slice %arg5[%add3A, %dma_wait3A] : memref<32x16xi32, #tpu.memory_space<hbm>> -> memref<1x16xi32, #tpu.memory_space<hbm>>
      %dma_wait3A_34 = tpu.memref_squeeze %dma_wait3A_33 : memref<1x16xi32, #tpu.memory_space<hbm>> -> memref<16xi32, #tpu.memory_space<hbm>>
      %dma_wait3A_35 = arith.constant 0 : i32
      %dma_wait3A_36 = tpu.memref_slice %arg5[%add3A, %dma_wait3A_35] : memref<32x16xi32, #tpu.memory_space<hbm>> -> memref<1x16xi32, #tpu.memory_space<hbm>>
      %dma_wait3A_37 = tpu.memref_squeeze %dma_wait3A_36 : memref<1x16xi32, #tpu.memory_space<hbm>> -> memref<16xi32, #tpu.memory_space<hbm>>
      tpu.wait_dma2 semaphore(%run_scoped3A : memref<!tpu.dma_semaphore, #tpu.memory_space<semaphore_mem>>) src(%arg9 : memref<16xi32, #tpu.memory_space<vmem>>) dst(%dma_wait3A_37 : memref<16xi32, #tpu.memory_space<hbm>>)
      tpu.yield
    }) : () -> ()
    "tpu.region"() ({
      %run_scoped3A = tpu.sem_alloc : memref<!tpu.dma_semaphore, #tpu.memory_space<semaphore_mem>>
      %dma_start3A = arith.constant 0 : i32
      %dma_start3A_28 = tpu.memref_slice %arg4[%add3A, %dma_start3A] : memref<32x1024xf32, #tpu.memory_space<hbm>> -> memref<1x1024xf32, #tpu.memory_space<hbm>>
      %dma_start3A_29 = tpu.memref_squeeze %dma_start3A_28 : memref<1x1024xf32, #tpu.memory_space<hbm>> -> memref<1024xf32, #tpu.memory_space<hbm>>
      %dma_start3A_30 = arith.constant 0 : i32
      %dma_start3A_31 = tpu.memref_slice %arg4[%add3A, %dma_start3A_30] : memref<32x1024xf32, #tpu.memory_space<hbm>> -> memref<1x1024xf32, #tpu.memory_space<hbm>>
      %dma_start3A_32 = tpu.memref_squeeze %dma_start3A_31 : memref<1x1024xf32, #tpu.memory_space<hbm>> -> memref<1024xf32, #tpu.memory_space<hbm>>
      tpu.enqueue_dma source(%arg7 : memref<1024xf32, #tpu.memory_space<vmem>>) target(%dma_start3A_32 : memref<1024xf32, #tpu.memory_space<hbm>>) target_semaphore(%run_scoped3A : memref<!tpu.dma_semaphore, #tpu.memory_space<semaphore_mem>>)
      %dma_wait3A = arith.constant 0 : i32
      %dma_wait3A_33 = tpu.memref_slice %arg4[%add3A, %dma_wait3A] : memref<32x1024xf32, #tpu.memory_space<hbm>> -> memref<1x1024xf32, #tpu.memory_space<hbm>>
      %dma_wait3A_34 = tpu.memref_squeeze %dma_wait3A_33 : memref<1x1024xf32, #tpu.memory_space<hbm>> -> memref<1024xf32, #tpu.memory_space<hbm>>
      %dma_wait3A_35 = arith.constant 0 : i32
      %dma_wait3A_36 = tpu.memref_slice %arg4[%add3A, %dma_wait3A_35] : memref<32x1024xf32, #tpu.memory_space<hbm>> -> memref<1x1024xf32, #tpu.memory_space<hbm>>
      %dma_wait3A_37 = tpu.memref_squeeze %dma_wait3A_36 : memref<1x1024xf32, #tpu.memory_space<hbm>> -> memref<1024xf32, #tpu.memory_space<hbm>>
      tpu.wait_dma2 semaphore(%run_scoped3A : memref<!tpu.dma_semaphore, #tpu.memory_space<semaphore_mem>>) src(%arg7 : memref<1024xf32, #tpu.memory_space<vmem>>) dst(%dma_wait3A_37 : memref<1024xf32, #tpu.memory_space<hbm>>)
      tpu.yield
    }) : () -> ()
    return
  }
}

module attributes {stable_mosaic.version = 14 : i64} {
  func.func @_stage1(%arg0: memref<1000x1000xf32, #tpu.memory_space<vmem>>, %arg1: memref<16xf32, #tpu.memory_space<vmem>>, %arg2: memref<16xf32, #tpu.memory_space<vmem>>) attributes {dimension_semantics = [], scalar_prefetch = 0 : i64, scratch_operands = 0 : i64, tpu.core_type = #tpu.core_type<tc>} {
    %get3A = arith.constant 0 : index
    %get3A_0 = arith.constant 0 : index
    %get3A_1 = vector.load %arg0[%get3A, %get3A_0] : memref<1000x1000xf32, #tpu.memory_space<vmem>>, vector<1000x1000xf32>
    %reduce_max3A = arith.constant dense<0xFF800000> : vector<1000xf32>
    %reduce_max3A_2 = vector.multi_reduction <maximumf>, %get3A_1, %reduce_max3A [1] : vector<1000x1000xf32> to vector<1000xf32>
    %reduce_max3A_3 = vector.shape_cast %reduce_max3A_2 : vector<1000xf32> to vector<1x1000xf32>
    %reduce_max3A_4 = arith.constant dense<0xFF800000> : vector<1xf32>
    %reduce_max3A_5 = vector.multi_reduction <maximumf>, %reduce_max3A_3, %reduce_max3A_4 [1] : vector<1x1000xf32> to vector<1xf32>
    %reduce_max3A_6 = vector.shape_cast %reduce_max3A_5 : vector<1xf32> to vector<1x1xf32>
    %reduce_max3A_7 = vector.extract %reduce_max3A_6[0, 0] : f32 from vector<1x1xf32>
    %bitcast_convert_type3A = tpu.bitcast %reduce_max3A_2 : vector<1000xf32> -> vector<1000xi32>
    %lt3A = arith.constant 0 : i32
    %lt3A_8 = vector.broadcast %lt3A : i32 to vector<1000xi32>
    %lt3A_9 = arith.cmpi slt, %bitcast_convert_type3A, %lt3A_8 : vector<1000xi32>
    %xor3A = arith.constant 2147483647 : i32
    %xor3A_10 = vector.broadcast %xor3A : i32 to vector<1000xi32>
    %xor3A_11 = arith.xori %bitcast_convert_type3A, %xor3A_10 : vector<1000xi32>
    %select_n3A = arith.select %lt3A_9, %xor3A_11, %bitcast_convert_type3A : vector<1000xi1>, vector<1000xi32>
    %bitcast_convert_type3A_12 = tpu.bitcast %select_n3A : vector<1000xi32> -> vector<1000xi32>
    %xor3A_13 = arith.constant -2147483648 : i32
    %xor3A_14 = vector.broadcast %xor3A_13 : i32 to vector<1000xi32>
    %xor3A_15 = arith.xori %bitcast_convert_type3A_12, %xor3A_14 : vector<1000xi32>
    %scan3A = arith.constant 0 : i32
    %scan3A_16 = arith.constant 0 : i32
    %scan3A_17 = arith.constant 32 : i32
    %scan3A_18 = arith.addi %scan3A_16, %scan3A_17 : i32
    %scan3A_19 = arith.constant 1 : i32
    %scan3A_20 = scf.for %scan3A_35 = %scan3A_16 to %scan3A_18 step %scan3A_19 iter_args(%scan3A_36 = %scan3A) -> (i32)  : i32 {
      %sub3A = arith.constant 31 : i32
      %sub3A_37 = arith.subi %sub3A, %scan3A_35 : i32
      %shift_left3A = arith.constant 1 : i32
      %shift_left3A_38 = arith.shli %shift_left3A, %sub3A_37 : i32
      %or3A = arith.ori %scan3A_36, %shift_left3A_38 : i32
      %ge3A = vector.broadcast %or3A : i32 to vector<1000xi32>
      %ge3A_39 = arith.cmpi uge, %xor3A_15, %ge3A : vector<1000xi32>
      %convert_element_type3A = arith.extui %ge3A_39 : vector<1000xi1> to vector<1000xi32>
      %reduce_sum3A = vector.shape_cast %convert_element_type3A : vector<1000xi32> to vector<1x1000xi32>
      %reduce_sum3A_40 = arith.constant dense<0> : vector<1xi32>
      %reduce_sum3A_41 = vector.multi_reduction <add>, %reduce_sum3A, %reduce_sum3A_40 [1] : vector<1x1000xi32> to vector<1xi32>
      %reduce_sum3A_42 = vector.shape_cast %reduce_sum3A_41 : vector<1xi32> to vector<1x1xi32>
      %reduce_sum3A_43 = vector.extract %reduce_sum3A_42[0, 0] : i32 from vector<1x1xi32>
      %ge3A_44 = arith.constant 512 : i32
      %ge3A_45 = arith.cmpi sge, %reduce_sum3A_43, %ge3A_44 : i32
      %select_n3A_46 = arith.select %ge3A_45, %or3A, %scan3A_36 : i32
      scf.yield %select_n3A_46 : i32
    }
    %scan3A_21 = arith.constant 32 : i32
    %xor3A_22 = arith.constant -2147483648 : i32
    %xor3A_23 = arith.xori %scan3A_20, %xor3A_22 : i32
    %bitcast_convert_type3A_24 = arith.bitcast %xor3A_23 : i32 to i32
    %lt3A_25 = arith.constant 0 : i32
    %lt3A_26 = arith.cmpi slt, %bitcast_convert_type3A_24, %lt3A_25 : i32
    %xor3A_27 = arith.constant 2147483647 : i32
    %xor3A_28 = arith.xori %bitcast_convert_type3A_24, %xor3A_27 : i32
    %select_n3A_29 = arith.select %lt3A_26, %xor3A_28, %bitcast_convert_type3A_24 : i32
    %bitcast_convert_type3A_30 = arith.bitcast %select_n3A_29 : i32 to f32
    %broadcast_in_dim3A = vector.broadcast %bitcast_convert_type3A_30 : f32 to vector<16xf32>
    %swap3A = arith.constant 0 : index
    %swap3A_31 = vector.load %arg1[%swap3A] : memref<16xf32, #tpu.memory_space<vmem>>, vector<16xf32>
    tpu.vector_store %arg1[%swap3A], %broadcast_in_dim3A {strides = array<i32>} : memref<16xf32, #tpu.memory_space<vmem>>, vector<16xf32>,
    %broadcast_in_dim3A_32 = vector.broadcast %reduce_max3A_7 : f32 to vector<16xf32>
    %swap3A_33 = arith.constant 0 : index
    %swap3A_34 = vector.load %arg2[%swap3A_33] : memref<16xf32, #tpu.memory_space<vmem>>, vector<16xf32>
    tpu.vector_store %arg2[%swap3A_33], %broadcast_in_dim3A_32 {strides = array<i32>} : memref<16xf32, #tpu.memory_space<vmem>>, vector<16xf32>,
    return
  }
}

module attributes {stable_mosaic.version = 14 : i64} {
  func.func @_stage2(%arg0: memref<1000x1000xf32, #tpu.memory_space<vmem>>, %arg1: memref<32x1024xf32, #tpu.memory_space<vmem>>, %arg2: memref<32x16xi32, #tpu.memory_space<vmem>>, %arg3: memref<16xf32, #tpu.memory_space<vmem>>, %arg4: memref<1000x1000xf32, #tpu.memory_space<vmem>>) attributes {dimension_semantics = [], scalar_prefetch = 0 : i64, scratch_operands = 0 : i64, tpu.core_type = #tpu.core_type<tc>} {
    %get3A = arith.constant 0 : index
    %get3A_0 = arith.constant 0 : index
    %get3A_1 = vector.load %arg0[%get3A, %get3A_0] : memref<1000x1000xf32, #tpu.memory_space<vmem>>, vector<1000x1000xf32>
    %get3A_2 = arith.constant 0 : index
    %get3A_3 = vector.load %arg3[%get3A_2] : memref<16xf32, #tpu.memory_space<vmem>>, vector<16xf32>
    %reduce_max3A = vector.shape_cast %get3A_3 : vector<16xf32> to vector<1x16xf32>
    %reduce_max3A_4 = arith.constant dense<0xFF800000> : vector<1xf32>
    %reduce_max3A_5 = vector.multi_reduction <maximumf>, %reduce_max3A, %reduce_max3A_4 [1] : vector<1x16xf32> to vector<1xf32>
    %reduce_max3A_6 = vector.shape_cast %reduce_max3A_5 : vector<1xf32> to vector<1x1xf32>
    %reduce_max3A_7 = vector.extract %reduce_max3A_6[0, 0] : f32 from vector<1x1xf32>
    %get3A_8 = arith.constant 0 : index
    %get3A_9 = arith.constant 0 : index
    %get3A_10 = vector.load %arg2[%get3A_8, %get3A_9] : memref<32x16xi32, #tpu.memory_space<vmem>>, vector<32x16xi32>
    %reduce_max3A_11 = vector.shape_cast %get3A_10 : vector<32x16xi32> to vector<1x32x16xi32>
    %reduce_max3A_12 = arith.constant dense<-2147483648> : vector<1xi32>
    %reduce_max3A_13 = vector.multi_reduction <maxsi>, %reduce_max3A_11, %reduce_max3A_12 [1, 2] : vector<1x32x16xi32> to vector<1xi32>
    %reduce_max3A_14 = vector.shape_cast %reduce_max3A_13 : vector<1xi32> to vector<1x1x1xi32>
    %reduce_max3A_15 = vector.extract %reduce_max3A_14[0, 0, 0] : i32 from vector<1x1x1xi32>
    %gt3A = arith.constant 64 : i32
    %gt3A_16 = arith.cmpi sgt, %reduce_max3A_15, %gt3A : i32
    %convert_element_type3A = arith.extui %gt3A_16 : i1 to i32
    %cond3A = arith.constant 0 : i32
    %cond3A_17 = arith.cmpi ne, %convert_element_type3A, %cond3A : i32
    %cond3A_18 = scf.if %cond3A_17 -> (i32) {
      %bitcast_convert_type3A_38 = tpu.bitcast %get3A_1 : vector<1000x1000xf32> -> vector<1000x1000xi32>
      %lt3A_39 = arith.constant 0 : i32
      %lt3A_40 = vector.broadcast %lt3A_39 : i32 to vector<1000x1000xi32>
      %lt3A_41 = arith.cmpi slt, %bitcast_convert_type3A_38, %lt3A_40 : vector<1000x1000xi32>
      %xor3A_42 = arith.constant 2147483647 : i32
      %xor3A_43 = vector.broadcast %xor3A_42 : i32 to vector<1000x1000xi32>
      %xor3A_44 = arith.xori %bitcast_convert_type3A_38, %xor3A_43 : vector<1000x1000xi32>
      %select_n3A_45 = arith.select %lt3A_41, %xor3A_44, %bitcast_convert_type3A_38 : vector<1000x1000xi1>, vector<1000x1000xi32>
      %bitcast_convert_type3A_46 = tpu.bitcast %select_n3A_45 : vector<1000x1000xi32> -> vector<1000x1000xi32>
      %xor3A_47 = arith.constant -2147483648 : i32
      %xor3A_48 = vector.broadcast %xor3A_47 : i32 to vector<1000x1000xi32>
      %xor3A_49 = arith.xori %bitcast_convert_type3A_46, %xor3A_48 : vector<1000x1000xi32>
      %scan3A = arith.constant 0 : i32
      %scan3A_50 = arith.constant 0 : i32
      %scan3A_51 = arith.constant 32 : i32
      %scan3A_52 = arith.addi %scan3A_50, %scan3A_51 : i32
      %scan3A_53 = arith.constant 1 : i32
      %scan3A_54 = scf.for %scan3A_56 = %scan3A_50 to %scan3A_52 step %scan3A_53 iter_args(%scan3A_57 = %scan3A) -> (i32)  : i32 {
        %sub3A_58 = arith.constant 31 : i32
        %sub3A_59 = arith.subi %sub3A_58, %scan3A_56 : i32
        %shift_left3A = arith.constant 1 : i32
        %shift_left3A_60 = arith.shli %shift_left3A, %sub3A_59 : i32
        %or3A = arith.ori %scan3A_57, %shift_left3A_60 : i32
        %ge3A = vector.broadcast %or3A : i32 to vector<1000x1000xi32>
        %ge3A_61 = arith.cmpi uge, %xor3A_49, %ge3A : vector<1000x1000xi32>
        %convert_element_type3A_62 = arith.extui %ge3A_61 : vector<1000x1000xi1> to vector<1000x1000xi32>
        %reduce_sum3A_63 = vector.shape_cast %convert_element_type3A_62 : vector<1000x1000xi32> to vector<1x1000x1000xi32>
        %reduce_sum3A_64 = arith.constant dense<0> : vector<1xi32>
        %reduce_sum3A_65 = vector.multi_reduction <add>, %reduce_sum3A_63, %reduce_sum3A_64 [1, 2] : vector<1x1000x1000xi32> to vector<1xi32>
        %reduce_sum3A_66 = vector.shape_cast %reduce_sum3A_65 : vector<1xi32> to vector<1x1x1xi32>
        %reduce_sum3A_67 = vector.extract %reduce_sum3A_66[0, 0, 0] : i32 from vector<1x1x1xi32>
        %ge3A_68 = arith.constant 512 : i32
        %ge3A_69 = arith.cmpi sge, %reduce_sum3A_67, %ge3A_68 : i32
        %select_n3A_70 = arith.select %ge3A_69, %or3A, %scan3A_57 : i32
        scf.yield %select_n3A_70 : i32
      }
      %scan3A_55 = arith.constant 32 : i32
      scf.yield %scan3A_54 : i32
    } else {
      %get3A_38 = arith.constant 0 : index
      %get3A_39 = arith.constant 0 : index
      %get3A_40 = vector.load %arg1[%get3A_38, %get3A_39] : memref<32x1024xf32, #tpu.memory_space<vmem>>, vector<32x1024xf32>
      %bitcast_convert_type3A_41 = tpu.bitcast %get3A_40 : vector<32x1024xf32> -> vector<32x1024xi32>
      %lt3A_42 = arith.constant 0 : i32
      %lt3A_43 = vector.broadcast %lt3A_42 : i32 to vector<32x1024xi32>
      %lt3A_44 = arith.cmpi slt, %bitcast_convert_type3A_41, %lt3A_43 : vector<32x1024xi32>
      %xor3A_45 = arith.constant 2147483647 : i32
      %xor3A_46 = vector.broadcast %xor3A_45 : i32 to vector<32x1024xi32>
      %xor3A_47 = arith.xori %bitcast_convert_type3A_41, %xor3A_46 : vector<32x1024xi32>
      %select_n3A_48 = arith.select %lt3A_44, %xor3A_47, %bitcast_convert_type3A_41 : vector<32x1024xi1>, vector<32x1024xi32>
      %bitcast_convert_type3A_49 = tpu.bitcast %select_n3A_48 : vector<32x1024xi32> -> vector<32x1024xi32>
      %xor3A_50 = arith.constant -2147483648 : i32
      %xor3A_51 = vector.broadcast %xor3A_50 : i32 to vector<32x1024xi32>
      %xor3A_52 = arith.xori %bitcast_convert_type3A_49, %xor3A_51 : vector<32x1024xi32>
      %scan3A = arith.constant 0 : i32
      %scan3A_53 = arith.constant 0 : i32
      %scan3A_54 = arith.constant 32 : i32
      %scan3A_55 = arith.addi %scan3A_53, %scan3A_54 : i32
      %scan3A_56 = arith.constant 1 : i32
      %scan3A_57 = scf.for %scan3A_59 = %scan3A_53 to %scan3A_55 step %scan3A_56 iter_args(%scan3A_60 = %scan3A) -> (i32)  : i32 {
        %sub3A_61 = arith.constant 31 : i32
        %sub3A_62 = arith.subi %sub3A_61, %scan3A_59 : i32
        %shift_left3A = arith.constant 1 : i32
        %shift_left3A_63 = arith.shli %shift_left3A, %sub3A_62 : i32
        %or3A = arith.ori %scan3A_60, %shift_left3A_63 : i32
        %ge3A = vector.broadcast %or3A : i32 to vector<32x1024xi32>
        %ge3A_64 = arith.cmpi uge, %xor3A_52, %ge3A : vector<32x1024xi32>
        %convert_element_type3A_65 = arith.extui %ge3A_64 : vector<32x1024xi1> to vector<32x1024xi32>
        %reduce_sum3A_66 = vector.shape_cast %convert_element_type3A_65 : vector<32x1024xi32> to vector<1x32x1024xi32>
        %reduce_sum3A_67 = arith.constant dense<0> : vector<1xi32>
        %reduce_sum3A_68 = vector.multi_reduction <add>, %reduce_sum3A_66, %reduce_sum3A_67 [1, 2] : vector<1x32x1024xi32> to vector<1xi32>
        %reduce_sum3A_69 = vector.shape_cast %reduce_sum3A_68 : vector<1xi32> to vector<1x1x1xi32>
        %reduce_sum3A_70 = vector.extract %reduce_sum3A_69[0, 0, 0] : i32 from vector<1x1x1xi32>
        %ge3A_71 = arith.constant 512 : i32
        %ge3A_72 = arith.cmpi sge, %reduce_sum3A_70, %ge3A_71 : i32
        %select_n3A_73 = arith.select %ge3A_72, %or3A, %scan3A_60 : i32
        scf.yield %select_n3A_73 : i32
      }
      %scan3A_58 = arith.constant 32 : i32
      scf.yield %scan3A_57 : i32
    }
    %xor3A = arith.constant -2147483648 : i32
    %xor3A_19 = arith.xori %cond3A_18, %xor3A : i32
    %bitcast_convert_type3A = arith.bitcast %xor3A_19 : i32 to i32
    %lt3A = arith.constant 0 : i32
    %lt3A_20 = arith.cmpi slt, %bitcast_convert_type3A, %lt3A : i32
    %xor3A_21 = arith.constant 2147483647 : i32
    %xor3A_22 = arith.xori %bitcast_convert_type3A, %xor3A_21 : i32
    %select_n3A = arith.select %lt3A_20, %xor3A_22, %bitcast_convert_type3A : i32
    %bitcast_convert_type3A_23 = arith.bitcast %select_n3A : i32 to f32
    %sub3A = vector.broadcast %reduce_max3A_7 : f32 to vector<1000x1000xf32>
    %sub3A_24 = arith.subf %get3A_1, %sub3A : vector<1000x1000xf32>
    %add3A = vector.broadcast %bitcast_convert_type3A_23 : f32 to vector<1000x1000xf32>
    %add3A_25 = arith.addf %sub3A_24, %add3A : vector<1000x1000xf32>
    %max3A = arith.constant 0.000000e+00 : f32
    %max3A_26 = vector.broadcast %max3A : f32 to vector<1000x1000xf32>
    %max3A_27 = arith.maximumf %add3A_25, %max3A_26 : vector<1000x1000xf32>
    %reduce_sum3A = vector.shape_cast %max3A_27 : vector<1000x1000xf32> to vector<1x1000x1000xf32>
    %reduce_sum3A_28 = arith.constant dense<0.000000e+00> : vector<1xf32>
    %reduce_sum3A_29 = vector.multi_reduction <add>, %reduce_sum3A, %reduce_sum3A_28 [1, 2] : vector<1x1000x1000xf32> to vector<1xf32>
    %reduce_sum3A_30 = vector.shape_cast %reduce_sum3A_29 : vector<1xf32> to vector<1x1x1xf32>
    %reduce_sum3A_31 = vector.extract %reduce_sum3A_30[0, 0, 0] : f32 from vector<1x1x1xf32>
    %add3A_32 = arith.constant 1.000000e-07 : f32
    %add3A_33 = arith.addf %reduce_sum3A_31, %add3A_32 : f32
    %div3A = arith.constant 1.000000e+00 : f32
    %div3A_34 = arith.divf %div3A, %add3A_33 : f32
    %mul3A = vector.broadcast %div3A_34 : f32 to vector<1000x1000xf32>
    %mul3A_35 = arith.mulf %max3A_27, %mul3A : vector<1000x1000xf32>
    %swap3A = arith.constant 0 : index
    %swap3A_36 = arith.constant 0 : index
    %swap3A_37 = vector.load %arg4[%swap3A, %swap3A_36] : memref<1000x1000xf32, #tpu.memory_space<vmem>>, vector<1000x1000xf32>
    tpu.vector_store %arg4[%swap3A, %swap3A_36], %mul3A_35 {strides = array<i32>} : memref<1000x1000xf32, #tpu.memory_space<vmem>>, vector<1000x1000xf32>,
    return
  }
}

</mosaic_0001>

<sc_bundles>
// kernel: kernel.5.cloned.1.call-start
scs
__scs_entry_jumppad:
0x0: {  	(pc) =	sbr.rel $0x88, $3  }
0x1: {  	(tag) =	ssettag $0x0;
	lr =	simm.s32 $0x1  }
0x2: {  	[smem:$0x3FA0] =	sst lr;
	_ =	strace $0xD0000000  }
0x3: {  	_ = 	snop  }
0x4: {  	_ = 	snop  }
0x5: {  	_ = 	snop  }
0x6: {  	_ = 	snop  }
0x7: {  	_ = 	snop  }
__scs_overlays_trampoline_lowered:
0x8: {  	[smem:$0x3FAF] =	sst s0  }
0x9: {  	[smem:$0x3FB0] =	sst s1  }
0xa: {  	[smem:$0x3FB1] =	sst s2  }
0xb: {  	[smem:$0x3FB2] =	sst s3  }
0xc: {  	[smem:$0x3FB3] =	sst s4  }
0xd: {  	[smem:$0x3FB4] =	sst s5  }
0xe: {  	[smem:$0x3FB5] =	sst s6  }
0xf: {  	[smem:$0x3FB6] =	sst s7  }
0x10: {  	[smem:$0x3FB7] =	sst s8  }
0x11: {  	[smem:$0x3FB8] =	sst s9;
	s0 =	simm.s32 @!p0 $0x0  }
0x12: {  	s1 =	sld [smem:$0x3F9E];
	s0 =	simm.s32 @p0 $0x1  }
0x13: {  	[smem:$0x3FB9] =	sst s0;
	s0 =	simm.s32 @!p1 $0x0  }
0x14: {  	s2 =	sld [smem:$0x3F9D];
	s0 =	simm.s32 @p1 $0x1  }
0x15: {  	[smem:$0x3FBA] =	sst s0;
	s0 =	simm.s32 @!p2 $0x0  }
0x16: {  	s3 =	sld [smem:$0x3FDB];
	s0 =	simm.s32 @p2 $0x1  }
0x17: {  	s4 =	simm.s32 $0x1BF5;
	[smem:$0x3FBC] =	sst s0  }
0x18: {  	s0 =	sld [smem:$0x3F9F];
	_ =	swait.ge [sflag:s4], $0x0  }
0x19: {  	s7 =	sld [smem:$0x3FA0]  }
0x1a: {  	s8 =	sadd.s32 $0xFFFFE003, lr  }
0x1b: {  	s9 =	sadd.s32 $0xFFFFFEF7, lr;
	s5 =	simm.s32 $0xFFFFFFFF;
	p2 =	slt.u32 s8, $0xFFFFF086  }
0x1c: {  	p1 =	slt.u32 s9, $0xF7A;
	s5 =	simm.s32 @!p2 $0x0  }
0x1d: {  	s5 =	simm.s32 @p1 $0x1;
	p0 =	seq.s32 s7, s2  }
0x1e: {  	s7 =	smul.u32 @!p0 $0xF7A, s2;
	p2 =	seq.s32 @!p0 s5, $0x0  }
0x1f: {  	s9 =	smul.u32 $0xF7A, s1;
	s8 =	simm.s32 @!p0 $0x1BF5;
	p2 =	por !p2, p0  }
0x20: {  	[sflag:s8] =	ssyncset.s32 @!p0 $0xFFFFF086;
	s6 =	sadd.s32 @!p0 s3, s7;
	s7 =	simm.s32 @!p0 $0x108  }
0x21: {  	s3 =	sadd.s32 s3, s9;
	s6 =	sadd.s32 @!p0 $0x88, s6;
	s7 =	simm.s32 @p2 $0x1082  }
0x22: {  	[simem:s7], [sflag:s8] =	dma.local @!p0 [hbm:s6], $0xF7A  }
0x23: {  	s9 =	sor.u32 $0xD0000000, s2;
	s6 =	simm.s32 $0x108;
	_ =	swait.ge @!p0 [sflag:s8], $0x0  }
0x24: {  	s3 =	sadd.s32 $0x88, s3;
	s6 =	simm.s32 @!p1 $0x1082;
	[sflag:s4] =	ssyncset.s32 $0xFFFFF086  }
0x25: {  	[simem:s6], [sflag:s4] =	dma.local [hbm:s3], $0xF7A  }
0x26: {  	[smem:$0x3FA0] =	sst s1;
	(tag) =	ssettag s2;
	_ =	strace s9  }
0x27: {  	s1 =	sld [smem:$0x3FB0]  }
0x28: {  	s2 =	sld [smem:$0x3FB1]  }
0x29: {  	s4 =	sld [smem:$0x3FB3]  }
0x2a: {  	p0 =	seq.s32 s5, $0x0;
	s5 =	sld [smem:$0x3FB4]  }
0x2b: {  	s6 =	sld [smem:$0x3FB5]  }
0x2c: {  	s7 =	sld [smem:$0x3FB6]  }
0x2d: {  	s3 =	simm.s32 $0x108;
	s8 =	sld [smem:$0x3FB7]  }
0x2e: {  	s3 =	simm.s32 @!p0 $0x1082;
	s9 =	sld [smem:$0x3FB8]  }
0x2f: {  	lr =	sadd.s32 s0, s3;
	s0 =	sld [smem:$0x3FAF]  }
0x30: {  	s3 =	sld [smem:$0x3FB2]  }
0x31: {  	[smem:$0x3FBB] =	sst s10  }
0x32: {  	s10 =	sld [smem:$0x3FB9];
	_ =	sdelay $0x3  }
0x33: {  	p0 =	seq.s32 s10, $0x1;
	s10 =	sld [smem:$0x3FBB];
	_ =	sdelay $0x3  }
0x34: {  	[smem:$0x3FBB] =	sst s10  }
0x35: {  	s10 =	sld [smem:$0x3FBA];
	_ =	sdelay $0x3  }
0x36: {  	p1 =	seq.s32 s10, $0x1;
	s10 =	sld [smem:$0x3FBB];
	_ =	sdelay $0x3  }
0x37: {  	[smem:$0x3FBB] =	sst s10  }
0x38: {  	s10 =	sld [smem:$0x3FBC]  }
0x39: {  	_ = 	snop;
	(pc) =	sbr.ind lr, $3  }
0x3a: {  	_ = 	snop  }
0x3b: {  	_ = 	snop  }
0x3c: {  	p2 =	seq.s32 s10, $0x1;
	s10 =	sld [smem:$0x3FBB]  }
0x3d: {  	_ =	shalt  }
0x3e: {  	_ =	shalt  }
0x3f: {  	_ =	shalt  }
0x40: {  	_ =	shalt  }
0x41: {  	_ =	shalt  }
0x42: {  	_ =	shalt  }
0x43: {  	_ =	shalt  }
0x44: {  	_ =	shalt  }
0x45: {  	_ =	shalt  }
0x46: {  	_ =	shalt  }
0x47: {  	_ =	shalt  }
0x48: {  	_ =	shalt  }
0x49: {  	_ =	shalt  }
0x4a: {  	_ =	shalt  }
0x4b: {  	_ =	shalt  }
0x4c: {  	_ =	shalt  }
0x4d: {  	_ =	shalt  }
0x4e: {  	_ =	shalt  }
0x4f: {  	_ =	shalt  }
0x50: {  	_ =	shalt  }
0x51: {  	_ =	shalt  }
0x52: {  	_ =	shalt  }
0x53: {  	_ =	shalt  }
0x54: {  	_ =	shalt  }
0x55: {  	_ =	shalt  }
0x56: {  	_ =	shalt  }
0x57: {  	_ =	shalt  }
0x58: {  	_ =	shalt  }
0x59: {  	_ =	shalt  }
0x5a: {  	_ =	shalt  }
0x5b: {  	_ =	shalt  }
0x5c: {  	_ =	shalt  }
0x5d: {  	_ =	shalt  }
0x5e: {  	_ =	shalt  }
0x5f: {  	_ =	shalt  }
0x60: {  	_ =	shalt  }
0x61: {  	_ =	shalt  }
0x62: {  	_ =	shalt  }
0x63: {  	_ =	shalt  }
0x64: {  	_ =	shalt  }
0x65: {  	_ =	shalt  }
0x66: {  	_ =	shalt  }
0x67: {  	_ =	shalt  }
0x68: {  	_ =	shalt  }
0x69: {  	_ =	shalt  }
0x6a: {  	_ =	shalt  }
0x6b: {  	_ =	shalt  }
0x6c: {  	_ =	shalt  }
0x6d: {  	_ =	shalt  }
0x6e: {  	_ =	shalt  }
0x6f: {  	_ =	shalt  }
0x70: {  	_ =	shalt  }
0x71: {  	_ =	shalt  }
0x72: {  	_ =	shalt  }
0x73: {  	_ =	shalt  }
0x74: {  	_ =	shalt  }
0x75: {  	_ =	shalt  }
0x76: {  	_ =	shalt  }
0x77: {  	_ =	shalt  }
0x78: {  	_ =	shalt  }
0x79: {  	_ =	shalt  }
0x7a: {  	_ =	shalt  }
0x7b: {  	_ =	shalt  }
0x7c: {  	_ =	shalt  }
0x7d: {  	_ =	shalt  }
0x7e: {  	_ =	shalt  }
0x7f: {  	_ =	shalt  }
0x80: {  	_ =	shalt  }
0x81: {  	_ =	shalt  }
0x82: {  	_ =	shalt  }
0x83: {  	_ =	shalt  }
0x84: {  	_ =	shalt  }
0x85: {  	_ =	shalt  }
0x86: {  	_ =	shalt  }
0x87: {  	_ =	shalt  }
.Lfunc_end0:
.L_simem_size_0:
called_computation_lowered:
.L_overlay_start_0:
0x88: {  	s2 =	sld [smem:$0x3FD9]  }
0x89: {  	s3 =	sld [smem:$0x3FFE];
	_ =	sdelay $0x1  }
0x8a: {  	s1 =	srdreg.scid  }
0x8b: {  	s0 =	sand.u32 $0x1, s1  }
0x8c: {  	s17 =	sshll.u32 s0, $0xA;
	s2 =	sadd.s32 s3, s2  }
0x8d: {  	s2 =	sadd.s32 s2, s17  }
0x8e: {  	[smem:$0x3FC7] =	sst s2  }
0x8f: {  	_ = 	snop  }
0x90: {  	s2 =	sld [smem:$0x3FD0];
	(tm) =	ssettm $0x1  }
0x91: {  	s18 =	sld [smem:$0x3FFB];
	_ =	sdelay $0x3  }
0x92: {  	_ =	strace s18  }
0x93: {  	s3 =	sld [smem:$0x3FFC];
	_ =	sdelay $0x3  }
0x94: {  	_ =	strace s3  }
0x95: {  	s3 =	sld [smem:$0x3FFD];
	_ =	sdelay $0x3  }
0x96: {  	_ =	strace s3  }
0x97: {  	_ =	strace $0x8FFFFFFF  }
0x98: {  	s19 =	sld [smem:$0x3FDB];
	_ =	sdelay $0x1  }
0x99: {  	s4 =	simm.s32 $_scs_section_size  }
0x9a: {  	s5 =	simm.s32 $_size__tile_overlayer_lowered;
	s6 =	simm.s32 $_tile_overlayer_lowered  }
0x9b: {  	s22 =	simm.s32 $0x1BFF;
	s21 =	sshll.u32 s6, $0x1;
	s3 =	sadd.s32 s4, s19  }
0x9c: {  	s7 =	simm.s32 $0x0;
	s20 =	sshll.u32 s5, $0x1;
	s5 =	sadd.s32 s21, s3  }
0x9d: {  	[timem:s7], [sflag:s22] =	dma.local [hbm:s5], s20  }
0x9e: {  	_ =	swait.ge [sflag:s22], s20  }
0x9f: {  	s4 =	ssub.s32 $0x0, s20;
	[sflag:s22] =	ssyncset.done $0x0  }
0xa0: {  	[sflag:s22] =	ssyncadd.s32 s4;
	_ =	sdelay $0x1  }
0xa1: {  	s23 =	simm.s32 $0x1B8B  }
0xa2: {  	_ =	swait.ge [sflag:s23], $0x1  }
0xa3: {  	[sflag:s23] =	ssyncset.done $0x0  }
0xa4: {  	s25 =	simm.s32 $0x1B8E;
	s24 =	sld [smem:$0x3FFE];
	[sflag:s23] =	ssyncadd.s32 $0xFFFFFFFF  }
0xa5: {  	s26 =	simm.s32 $execute0_lowered;
	[smem:$0x3FD2] =	sst s25  }
0xa6: {  	s5 =	sshll.u32 s26, $0x1;
	_ =	strace $0x80000046;
	[dreg:$0x1] =	wrdreg $0xFFFFFFFF  }
0xa7: {  	s28 =	simm.s32 $_size_execute0_lowered;
	s3 =	sadd.s32 s3, s5;
	[dreg:$0x0] =	wrdreg $0x0  }
0xa8: {  	s5 =	sshll.u32 s28, $0x1;
	[dreg:$0x2] =	wrdreg s3  }
0xa9: {  	[dreg:$0x3] =	wrdreg s5  }
0xaa: {  	[dreg:$0x4] =	wrdreg $0xC0  }
0xab: {  	_ =	task [dreg:s7], $0x5FFFF  }
0xac: {  	[dreg:$0x1] =	wrdreg $0xFFFFFFFF  }
0xad: {  	[dreg:$0x0] =	wrdreg $0x60  }
0xae: {  	[dreg:$0x2] =	wrdreg s24  }
0xaf: {  	[dreg:$0x3] =	wrdreg s2  }
0xb0: {  	[dreg:$0x4] =	wrdreg $0x9  }
0xb1: {  	_ =	task.clear_ibuf [dreg:s7], $0x5FFFF;
	_ =	strace $0x90000046  }
0xb2: {  	s29 =	simm.s32 $0x9;
	_ =	strace $0x80000048  }
0xb3: {  	_ =	swait.ge [sflag:s29], $0x1  }
0xb4: {  	[sflag:s29] =	ssyncadd.s32 $0xFFFFFFFF  }
0xb5: {  	_ =	strace $0x90000048  }
0xb6: {  	_ =	sfence  }
0xb7: {  	s30 =	sld [smem:$0x0];
	_ =	sdelay $0x2  }
0xb8: {  	s31 =	sshll.u32 s1, $0xD;
	s1 =	sshrl.u32 s1, $0x2  }
0xb9: {  	s3 =	sand.u32 $0x4000, s31;
	s1 =	sadd.s32 s1, s30  }
0xba: {  	s0 =	sor.u32 s3, s0;
	s1 =	sshll.u32 s1, $0x11  }
0xbb: {  	s0 =	sor.u32 s1, s0  }
0xbc: {  	s0 =	sadd.s32 $0x8F2B, s0  }
0xbd: {  	[sflag:s0] =	ssyncadd.remote.s32 $0x1  }
0xbe: {  	_ =	sfence.sel $0xFFFF  }
0xbf: {  	[dreg:$0x0] =	wrdreg $0xFFFFFFFF;
	(pc) =	sbr.abs _section_cstart, $3  }
0xc0: {  	[dreg:$0x1] =	wrdreg $0xFFFFFFFF  }
0xc1: {  	_ =	task.clear_ibuf [dreg:s7], $0x2FFFF;
	_ =	strace $0x9FFFFFFF  }
0xc2: {  	(tm) =	ssettm $0x7FFFFFFF  }
0xc3: {  	_ =	shalt  }
tec
execute0_lowered:
.L_overlay_start_1:
0x0: {  	(tag) =	ssettag $0x1  }
0x1: {  	s4 =	rddreg [dreg:$0x0];
	s1 =	srdreg.scid  }
0x2: {  	s0 =	stileid.u32;
	s7 =	rddreg [dreg:$0x1];
	s2 =	simm.s32 $0x0  }
0x3: {  	s12 =	simm.s32 $0x7F00;
	s13 =	simm.s32 $0x80;
	s14 =	simm.s32 $0x400  }
0x4: {  	s15 =	simm.s32 $0x0;
	s3 =	sand.u32 $0x1, s1;
	s1 =	rddreg [dreg:$0x2]  }
0x5: {  	s5 =	sshll.u32 s0, $0x1;
	[smem:$0x7FF] =	sst s2;
	s6 =	sshrl.u32 s0, $0x2  }
0x6: {  	s5 =	sor.u32 s3, s5;
	s10 =	sshll.u32 s6, $0xA;
	_ =	strace $0x80000047  }
0x7: {  	s11 =	ssub.s32 $0x2, s3;
	s3 =	sadd.s32 $0x1F800, s4;
	s6 =	sshll.u32 s6, $0xD  }
0x8: {  	s8 =	sshll.u32 s5, $0x7;
	s9 =	smul.u32 $0xF42, s5;
	s31 =	sshrl.u32 s11, $0x1  }
0x9: {  	p0 =	seq.s32 s5, $0x1F;
	s5 =	simm.s32 $0x7A5;
	s8 =	sand.u32 $0x380, s8  }
0xa: {  	s11 =	ssub.s32 s11, s31;
	s5 =	simm.s32 @!p0 $0x7A1;
	s10 =	sor.u32 s10, s8  }
0xb: {  	s9 =	sadd.s32 s9, s4;
	s8 =	sor.u32 s6, s8;
	s10 =	sshrl.u32 s10, $0x3  }
0xc: {  	s8 =	sshrl.u32 s8, $0x3;
	s10 =	sadd.s32 s10, s4;
	s4 =	sadd.s32 $0xE00, s9  }
0xd: {  	v1 =	vlaneseq.u32;
	s7 =	sadd.s32 s7, s8;
	s8 =	smax.u32 s11, $0x1;
	s9 =	simm.s32 $0x1  }
0xe: {  	v0 =	vimm.f32 $-Inf;
	v2 =	vimm.s32 $0x0;
	v1 =	vmul.u32 $0x40, v1;
	s11 =	simm.s32 $0x7A80;
	s6 =	sadd.s32 $0x1FA00, s10;
	s10 =	simm.s32 $0x7E80  }
.LBB2_1:
0xf: {  	[tilespmem:s2], [sflag:$0x1] =	stream.linear.gather [hbm4b:s4+s2], $0x7A50, $0x38;
	[tilespmem:$0x7F80] =	vst v63  }
0x10: {  	_ =	swait.ge [sflag:s9], $0x7A50  }
0x11: {  	[sflag:s9] =	ssyncset.done $0x0  }
0x12: {  	[sflag:s9] =	ssyncadd.s32 $0xFFFF85B0  }
0x13: {  	[tilespmem:s10], [sflag:$0x1] =	stream.linear.gather [hbm4b:s3+s2], $0x80, $0x38;
	[tilespmem:$0x7F80] =	vst v63  }
0x14: {  	_ =	swait.ge [sflag:s9], $0x80  }
0x15: {  	[sflag:s9] =	ssyncset.done $0x0  }
0x16: {  	[sflag:s9] =	ssyncadd.s32 $0xFFFFFF80  }
0x17: {  	s16 =	simm.s32 $0x0;
	v3 =	vld [tilespmem:$0x7E80]  }
.LBB2_2:
0x18: {  	p0 =	sne.s32 s16, $0xFC0  }
.Ltmp0:
0x19: {  	_ = 	snop;
	(pc) =	sbr.rel @p0 .LBB2_2-.Ltmp0, $3  }
0x1a: {  	_ =	sdelay $0x1  }
0x1b: {  	s17 =	sshra.s32 s16, $0x2  }
0x1c: {  	s16 =	sadd.s32 $0x40, s16;
	[tilespmem:s17+$0x7A80] =	vst v0  }
0x1d: {  	p0 =	sne.s32 s5, $0x1  }
.Ltmp1:
0x1e: {  	_ = 	snop;
	(pc) =	sbr.rel @!p0 .LBB2_5-.Ltmp1, $3  }
0x1f: {  	_ =	sdelay $0x1  }
0x20: {  	s16 =	simm.s32 $0x0  }
0x21: {  	v4 =	vimm.s32 $0x0;
	s17 =	sadd.s32 $0xFFFFFFFF, s5;
	v5 =	vld [tilespmem:s16+$0x0]  }
.LBB2_4:
0x22: {  	p0 =	sne.s32 s17, $0x1;
	_ =	sdelay $0x3  }
0x23: {  	vm1 =	vlt.s32 v4, $0x40;
	vm0 =	vge.f32 v5, v3  }
0x24: {  	vm1 =	vmand vm1, vm0;
	v6 =	vsel vm0, $0x1, v2  }
0x25: {  	v7 =	vadd.s32 v1, v4;
	v4 =	vadd.s32 v6, v4;
	_ =	sdelay $0x1  }
.Ltmp2:
0x26: {  	(pc) =	sbr.rel @p0 .LBB2_4-.Ltmp2, $3  }
0x27: {  	_ =	sdelay $0x1  }
0x28: {  	s16 =	sadd.s32 $0x10, s16;
	[tilespmem:v7+s11+$0x0] =	vst.idx.msk vm1, v5  }
0x29: {  	s17 =	sadd.s32 $0xFFFFFFFF, s17;
	v5 =	vld [tilespmem:s16+$0x0]  }
.LBB2_5:
0x2a: {  	_ =	sdelay $0x3  }
0x2b: {  	vm1 =	vlt.s32 v4, $0x40;
	vm0 =	vge.f32 v5, v3  }
0x2c: {  	vm1 =	vmand vm1, vm0  }
0x2d: {  	v3 =	vadd.s32 v1, v4;
	_ =	sdelay $0x3  }
0x2e: {  	v6 =	vsel vm0, $0x1, v2  }
0x2f: {  	v63 =	vadd.s32 v6, v4;
	[tilespmem:v3+s11+$0x0] =	vst.idx.msk vm1, v5  }
0x30: {  	[tilespmem:$0x7F00] =	vst v63  }
0x31: {  	[hbm4b:s6+s2] =	stream.linear.scatter [tilespmem:s12], [sflag:$0x1], $0x80, $0x38;
	[tilespmem:$0x7F80] =	vst v63  }
0x32: {  	s15 =	sadd.s32 $0x1, s15;
	_ =	swait.ge [sflag:s9], $0x80  }
0x33: {  	p0 =	sne.s32 s15, s8;
	[sflag:s9] =	ssyncset.done $0x0  }
.Ltmp3:
0x34: {  	[sflag:s9] =	ssyncadd.s32 $0xFFFFFF80;
	(pc) =	sbr.rel @p0 .LBB2_1-.Ltmp3, $4  }
0x35: {  	[hbm4b:s7+s13] =	stream.strided.scatter [tilespmem:s11], [sflag:$0x1], $0x400, s14, s13, $0x38;
	[tilespmem:$0x7F80] =	vst v63  }
0x36: {  	_ =	swait.ge [sflag:s9], $0x400  }
0x37: {  	[sflag:s9] =	ssyncset.done $0x0  }
0x38: {  	[sflag:s9] =	ssyncadd.s32 $0xFFFFFC00  }
0x39: {  	_ =	sfence.sel $0x180000  }
0x3a: {  	[bflag:$0x0] =	sbarrier.arrive $0xFFFF  }
0x3b: {  	p0 =	sne.s32 s0, $0x0;
	_ =	strace $0x90000047  }
0x3c: {  	s0 =	sadd.s32 @!p0 $0x100000, s1;
	[bflag:$0x2] =	sbarrier.arrive $0xFFFF  }
0x3d: {  	[sflag:s0] =	ssyncadd.tile.s32 @!p0 $0x1;
	_ =	shalt  }
.Lfunc_end2:
_tile_overlayer_lowered:
.L_overlay_start_2:
0x3e: {  	(tag) =	ssettag $0x2  }
0x3f: {  	s0 =	rddreg [dreg:$0x0];
	s2 =	stileid.u32  }
0x40: {  	s1 =	rddreg [dreg:$0x1];
	p0 =	sne.s32 s2, $0x0  }
0x41: {  	s3 =	rddreg [dreg:$0x2];
	[bflag:$0x3] =	sbarrier.arrive $0xFFFF;
	s2 =	simm.s32 @!p0 $0x1C01  }
0x42: {  	[timem:s3], [sflag:s2] =	dma.local @!p0 [hbm:s0], s1  }
0x43: {  	s0 =	simm.s32 @!p0 $0x1  }
0x44: {  	_ =	swait.ge @!p0 [sflag:s0], s1  }
0x45: {  	s1 =	ssub.s32 @!p0 $0x0, s1;
	[sflag:s0] =	ssyncset.done @!p0 $0x0  }
0x46: {  	[sflag:s0] =	ssyncadd.s32 @!p0 s1  }
0x47: {  	[bflag:$0x3] =	sbarrier.arrive $0xFFFF  }
0x48: {  	_ =	shalt  }

</sc_bundles>
